<compile_context>
chip_gen: v7x
topology: tpu7x:2x2x1
jax: 0.10.2.dev20260603
libtpu: 0.0.44.dev20260713+nightly
codegen_flags: <defaults>
</compile_context>

<pallas_src>
import jax
import jax.numpy as jnp
from jax import lax
from jax.experimental import pallas as pl
from jax.experimental.pallas import tpu as pltpu
from jax.experimental.pallas import tpu_sc as plsc

MAXSPAN = 255
QLEN = 2048
KLEN = 2048
DEPTH = 64
EXT = 4160
LO_PAD = 1793
HI_START = 2302
WROWS = KLEN * DEPTH // 128

NCORES = 2
NSUB = 16
NWORKERS = NCORES * NSUB
ROWS_PER_W = QLEN // NWORKERS
RING = 8


def _build_ext_kernel(emb_ref, ext_ref):
    ext_ref[0:LO_PAD, :] = jnp.broadcast_to(emb_ref[0:1, :], (LO_PAD, DEPTH))
    ext_ref[LO_PAD:HI_START, :] = emb_ref[:, :]
    ext_ref[HI_START:EXT, :] = jnp.broadcast_to(
        emb_ref[508:509, :], (EXT - HI_START, DEPTH))


def _sc_expand(ext_a, ext_b, out_hbm, sp0, sp1, sem):
    c = lax.axis_index("c")
    s = lax.axis_index("s")

    @pl.when(s == 0)
    def _():
        pltpu.sync_copy(ext_a, sp0)

    @pl.when(s == 1)
    def _():
        pltpu.sync_copy(ext_b, sp1)

    plsc.subcore_barrier()

    base = (c * NSUB + s) * ROWS_PER_W

    def row_even(j):
        q = base + 2 * j
        return pltpu.make_async_copy(
            sp1.at[pl.ds(WROWS - 1 - lax.div(q, 2), WROWS), :],
            out_hbm.at[q],
            sem)

    def row_odd(j):
        q = base + 2 * j + 1
        return pltpu.make_async_copy(
            sp0.at[pl.ds(WROWS - 1 - lax.div(q - 1, 2), WROWS), :],
            out_hbm.at[q],
            sem)

    npairs = ROWS_PER_W // 2

    def fire(j, _):
        @pl.when(j >= RING)
        def _():
            row_even(j - RING).wait()
            row_odd(j - RING).wait()
        row_even(j).start()
        row_odd(j).start()
        return ()

    lax.fori_loop(0, npairs, fire, ())

    def drain(j, _):
        row_even(npairs - RING + j).wait()
        row_odd(npairs - RING + j).wait()
        return ()

    lax.fori_loop(0, RING, drain, ())


def kernel(inputs, embeddings):
    del inputs
    ext = pl.pallas_call(
        _build_ext_kernel,
        out_shape=jax.ShapeDtypeStruct((EXT, DEPTH), jnp.float32),
    )(embeddings)
    ext_flat = ext.reshape(-1)
    nrows_a = EXT * DEPTH // 128
    ext_a = ext_flat.reshape(nrows_a, 128)
    ext_b = ext_flat[64:64 + (nrows_a - 1) * 128].reshape(nrows_a - 1, 128)

    sc_expand = pl.kernel(
        _sc_expand,
        out_type=jax.ShapeDtypeStruct((QLEN, WROWS, 128), jnp.float32),
        mesh=plsc.VectorSubcoreMesh(
            core_axis_name="c", subcore_axis_name="s"),
        scratch_types=[
            pltpu.VMEM_SHARED((nrows_a, 128), jnp.float32),
            pltpu.VMEM_SHARED((nrows_a - 1, 128), jnp.float32),
            pltpu.SemaphoreType.DMA,
        ],
    )
    out = sc_expand(ext_a, ext_b)
    return out.reshape(QLEN, KLEN, DEPTH)

# --- scband reference (transcript-rebuilt; emitter-appended) ---
"""Pipeline reference for scband-relative-positional-encoding-54752243089772 (READ-ONLY COPY).

The authoritative reference and input builder live on the scoring server;
editing this copy changes nothing except your own understanding.
"""

import jax, jax.numpy as jnp
import numpy as np

MAX_SPAN = 255
QUERY_LENGTH = 2048
KEY_LENGTH = 2048
DEPTH = 64


def _compute_relative_distance_matrix(query_length, key_length):
    if (key_length - query_length) % 2:
        raise ValueError('Key_length should be query_length + 2 * memory_flange.')
    key_index = jnp.arange(key_length)
    query_index = jnp.arange(query_length) + (key_length - query_length) // 2
    distance_matrix = key_index[None, :] - query_index[:, None]
    distance_matrix = distance_matrix + MAX_SPAN - 1
    if query_length + (key_length - query_length) // 2 > MAX_SPAN:
        distance_matrix = jnp.clip(distance_matrix, 0, MAX_SPAN * 2 - 2)
    return distance_matrix


def setup_inputs(seed: int = 0) -> dict:
    key = jax.random.key(seed)
    k_emb, _ = jax.random.split(key)
    inputs = jnp.zeros((1,), dtype=jnp.float32)
    # Learned embedding table: shape (MAX_SPAN * 2 - 1, depth) = (509, 64),
    # TruncatedNormal(stddev=1.0) in the original; plain normal is faithful enough numerically.
    embeddings = jax.random.normal(k_emb, (MAX_SPAN * 2 - 1, DEPTH), dtype=jnp.float32)
    return {"inputs": inputs, "embeddings": embeddings}


def reference(inputs, embeddings):
    # Forward: inputs is ignored (del inputs in the original); output is a gather
    # of the relative positional embeddings by the precomputed distance matrix.
    distance_matrix = _compute_relative_distance_matrix(QUERY_LENGTH, KEY_LENGTH)
    return jnp.take(embeddings, distance_matrix, axis=0)

if __name__ == "__main__":
    import jax
    _d = setup_inputs()
    print(jax.jit(kernel)(*tuple(_d.values())))

</pallas_src>

<mosaic_0001>
#map = affine_map<(d0, d1) -> (0, 0)>
#map1 = affine_map<(d0, d1) -> (0, 0, 0)>
module attributes {stable_mosaic.version = 14 : i64} {
  func.func @_sc_expand(%arg0: i32, %arg1: i32, %arg2: memref<2080x128xf32, #tpu.memory_space<hbm>>, %arg3: memref<2079x128xf32, #tpu.memory_space<hbm>>, %arg4: memref<2048x1024x128xf32, #tpu.memory_space<hbm>>, %arg5: memref<2080x128xf32, #tpu.memory_space<vmem_shared>>, %arg6: memref<2079x128xf32, #tpu.memory_space<vmem_shared>>, %arg7: memref<!tpu.dma_semaphore, #tpu.memory_space<semaphore_mem>>) attributes {dimension_semantics = [#tpu.dimension_semantics<core_parallel>, #tpu.dimension_semantics<subcore_parallel>], iteration_bounds = array<i64: 2, 16>, scalar_prefetch = 0 : i64, scratch_operands = 3 : i64, tpu.core_type = #tpu.core_type<sc_vector_subcore>, window_params = [{transform_indices = #map}, {transform_indices = #map}, {transform_indices = #map1}]} {
    %eq3A = arith.constant 0 : i32
    %eq3A_0 = arith.cmpi eq, %arg1, %eq3A : i32
    %convert_element_type3A = arith.extui %eq3A_0 : i1 to i32
    %cond3A = arith.constant 0 : i32
    %cond3A_1 = arith.cmpi ne, %convert_element_type3A, %cond3A : i32
    scf.if %cond3A_1 {
      "tpu.region"() ({
        %run_scoped3A = tpu.sem_alloc : memref<!tpu.dma_semaphore, #tpu.memory_space<semaphore_mem>>
        tpu.enqueue_dma source(%arg2 : memref<2080x128xf32, #tpu.memory_space<hbm>>) target(%arg5 : memref<2080x128xf32, #tpu.memory_space<vmem_shared>>) target_semaphore(%run_scoped3A : memref<!tpu.dma_semaphore, #tpu.memory_space<semaphore_mem>>)
        tpu.wait_dma2 semaphore(%run_scoped3A : memref<!tpu.dma_semaphore, #tpu.memory_space<semaphore_mem>>) src(%arg2 : memref<2080x128xf32, #tpu.memory_space<hbm>>) dst(%arg5 : memref<2080x128xf32, #tpu.memory_space<vmem_shared>>)
        tpu.yield
      }) : () -> ()
    } else {
    }
    %eq3A_2 = arith.constant 1 : i32
    %eq3A_3 = arith.cmpi eq, %arg1, %eq3A_2 : i32
    %convert_element_type3A_4 = arith.extui %eq3A_3 : i1 to i32
    %cond3A_5 = arith.constant 0 : i32
    %cond3A_6 = arith.cmpi ne, %convert_element_type3A_4, %cond3A_5 : i32
    scf.if %cond3A_6 {
      "tpu.region"() ({
        %run_scoped3A = tpu.sem_alloc : memref<!tpu.dma_semaphore, #tpu.memory_space<semaphore_mem>>
        tpu.enqueue_dma source(%arg3 : memref<2079x128xf32, #tpu.memory_space<hbm>>) target(%arg6 : memref<2079x128xf32, #tpu.memory_space<vmem_shared>>) target_semaphore(%run_scoped3A : memref<!tpu.dma_semaphore, #tpu.memory_space<semaphore_mem>>)
        tpu.wait_dma2 semaphore(%run_scoped3A : memref<!tpu.dma_semaphore, #tpu.memory_space<semaphore_mem>>) src(%arg3 : memref<2079x128xf32, #tpu.memory_space<hbm>>) dst(%arg6 : memref<2079x128xf32, #tpu.memory_space<vmem_shared>>)
        tpu.yield
      }) : () -> ()
    } else {
    }
    %barrier3A = arith.constant 0 : index
    tpu.barrier barrier_id(%barrier3A)
    %mul3A = arith.constant 16 : i32
    %mul3A_7 = arith.muli %arg0, %mul3A : i32
    %add3A = arith.addi %mul3A_7, %arg1 : i32
    %mul3A_8 = arith.constant 64 : i32
    %mul3A_9 = arith.muli %add3A, %mul3A_8 : i32
    %scan3A = arith.constant 0 : i32
    %scan3A_10 = arith.constant 32 : i32
    %scan3A_11 = arith.addi %scan3A, %scan3A_10 : i32
    %scan3A_12 = arith.constant 1 : i32
    scf.for %scan3A_19 = %scan3A to %scan3A_11 step %scan3A_12  : i32 {
      %ge3A = arith.constant 8 : i32
      %ge3A_20 = arith.cmpi sge, %scan3A_19, %ge3A : i32
      %convert_element_type3A_21 = arith.extui %ge3A_20 : i1 to i32
      %cond3A_22 = arith.constant 0 : i32
      %cond3A_23 = arith.cmpi ne, %convert_element_type3A_21, %cond3A_22 : i32
      scf.if %cond3A_23 {
        %sub3A_51 = arith.constant 8 : i32
        %sub3A_52 = arith.subi %scan3A_19, %sub3A_51 : i32
        %mul3A_53 = arith.constant 2 : i32
        %mul3A_54 = arith.muli %mul3A_53, %sub3A_52 : i32
        %add3A_55 = arith.addi %mul3A_9, %mul3A_54 : i32
        %div3A_56 = arith.constant 2 : i32
        %div3A_57 = arith.divsi %add3A_55, %div3A_56 : i32
        %sub3A_58 = arith.constant 1023 : i32
        %sub3A_59 = arith.subi %sub3A_58, %div3A_57 : i32
        %dma_wait3A = arith.constant 0 : i32
        %dma_wait3A_60 = arith.constant 0 : i32
        %dma_wait3A_61 = tpu.memref_slice %arg4[%add3A_55, %dma_wait3A, %dma_wait3A_60] : memref<2048x1024x128xf32, #tpu.memory_space<hbm>> -> memref<1x1024x128xf32, #tpu.memory_space<hbm>>
        %dma_wait3A_62 = tpu.memref_squeeze %dma_wait3A_61 : memref<1x1024x128xf32, #tpu.memory_space<hbm>> -> memref<1024x128xf32, #tpu.memory_space<hbm>>
        %dma_wait3A_63 = arith.constant 0 : i32
        %dma_wait3A_64 = tpu.memref_slice %arg6[%sub3A_59, %dma_wait3A_63] : memref<2079x128xf32, #tpu.memory_space<vmem_shared>> -> memref<1024x128xf32, #tpu.memory_space<vmem_shared>>
        tpu.wait_dma2 semaphore(%arg7 : memref<!tpu.dma_semaphore, #tpu.memory_space<semaphore_mem>>) src(%dma_wait3A_64 : memref<1024x128xf32, #tpu.memory_space<vmem_shared>>) dst(%dma_wait3A_62 : memref<1024x128xf32, #tpu.memory_space<hbm>>)
        %sub3A_65 = arith.constant 8 : i32
        %sub3A_66 = arith.subi %scan3A_19, %sub3A_65 : i32
        %mul3A_67 = arith.constant 2 : i32
        %mul3A_68 = arith.muli %mul3A_67, %sub3A_66 : i32
        %add3A_69 = arith.addi %mul3A_9, %mul3A_68 : i32
        %add3A_70 = arith.constant 1 : i32
        %add3A_71 = arith.addi %add3A_69, %add3A_70 : i32
        %sub3A_72 = arith.constant 1 : i32
        %sub3A_73 = arith.subi %add3A_71, %sub3A_72 : i32
        %div3A_74 = arith.constant 2 : i32
        %div3A_75 = arith.divsi %sub3A_73, %div3A_74 : i32
        %sub3A_76 = arith.constant 1023 : i32
        %sub3A_77 = arith.subi %sub3A_76, %div3A_75 : i32
        %dma_wait3A_78 = arith.constant 0 : i32
        %dma_wait3A_79 = arith.constant 0 : i32
        %dma_wait3A_80 = tpu.memref_slice %arg4[%add3A_71, %dma_wait3A_78, %dma_wait3A_79] : memref<2048x1024x128xf32, #tpu.memory_space<hbm>> -> memref<1x1024x128xf32, #tpu.memory_space<hbm>>
        %dma_wait3A_81 = tpu.memref_squeeze %dma_wait3A_80 : memref<1x1024x128xf32, #tpu.memory_space<hbm>> -> memref<1024x128xf32, #tpu.memory_space<hbm>>
        %dma_wait3A_82 = arith.constant 0 : i32
        %dma_wait3A_83 = tpu.memref_slice %arg5[%sub3A_77, %dma_wait3A_82] : memref<2080x128xf32, #tpu.memory_space<vmem_shared>> -> memref<1024x128xf32, #tpu.memory_space<vmem_shared>>
        tpu.wait_dma2 semaphore(%arg7 : memref<!tpu.dma_semaphore, #tpu.memory_space<semaphore_mem>>) src(%dma_wait3A_83 : memref<1024x128xf32, #tpu.memory_space<vmem_shared>>) dst(%dma_wait3A_81 : memref<1024x128xf32, #tpu.memory_space<hbm>>)
      } else {
      }
      %mul3A_24 = arith.constant 2 : i32
      %mul3A_25 = arith.muli %mul3A_24, %scan3A_19 : i32
      %add3A_26 = arith.addi %mul3A_9, %mul3A_25 : i32
      %div3A = arith.constant 2 : i32
      %div3A_27 = arith.divsi %add3A_26, %div3A : i32
      %sub3A = arith.constant 1023 : i32
      %sub3A_28 = arith.subi %sub3A, %div3A_27 : i32
      %dma_start3A = arith.constant 0 : i32
      %dma_start3A_29 = arith.constant 0 : i32
      %dma_start3A_30 = tpu.memref_slice %arg4[%add3A_26, %dma_start3A, %dma_start3A_29] : memref<2048x1024x128xf32, #tpu.memory_space<hbm>> -> memref<1x1024x128xf32, #tpu.memory_space<hbm>>
      %dma_start3A_31 = tpu.memref_squeeze %dma_start3A_30 : memref<1x1024x128xf32, #tpu.memory_space<hbm>> -> memref<1024x128xf32, #tpu.memory_space<hbm>>
      %dma_start3A_32 = arith.constant 0 : i32
      %dma_start3A_33 = tpu.memref_slice %arg6[%sub3A_28, %dma_start3A_32] : memref<2079x128xf32, #tpu.memory_space<vmem_shared>> -> memref<1024x128xf32, #tpu.memory_space<vmem_shared>>
      tpu.enqueue_dma source(%dma_start3A_33 : memref<1024x128xf32, #tpu.memory_space<vmem_shared>>) target(%dma_start3A_31 : memref<1024x128xf32, #tpu.memory_space<hbm>>) target_semaphore(%arg7 : memref<!tpu.dma_semaphore, #tpu.memory_space<semaphore_mem>>)
      %mul3A_34 = arith.constant 2 : i32
      %mul3A_35 = arith.muli %mul3A_34, %scan3A_19 : i32
      %add3A_36 = arith.addi %mul3A_9, %mul3A_35 : i32
      %add3A_37 = arith.constant 1 : i32
      %add3A_38 = arith.addi %add3A_36, %add3A_37 : i32
      %sub3A_39 = arith.constant 1 : i32
      %sub3A_40 = arith.subi %add3A_38, %sub3A_39 : i32
      %div3A_41 = arith.constant 2 : i32
      %div3A_42 = arith.divsi %sub3A_40, %div3A_41 : i32
      %sub3A_43 = arith.constant 1023 : i32
      %sub3A_44 = arith.subi %sub3A_43, %div3A_42 : i32
      %dma_start3A_45 = arith.constant 0 : i32
      %dma_start3A_46 = arith.constant 0 : i32
      %dma_start3A_47 = tpu.memref_slice %arg4[%add3A_38, %dma_start3A_45, %dma_start3A_46] : memref<2048x1024x128xf32, #tpu.memory_space<hbm>> -> memref<1x1024x128xf32, #tpu.memory_space<hbm>>
      %dma_start3A_48 = tpu.memref_squeeze %dma_start3A_47 : memref<1x1024x128xf32, #tpu.memory_space<hbm>> -> memref<1024x128xf32, #tpu.memory_space<hbm>>
      %dma_start3A_49 = arith.constant 0 : i32
      %dma_start3A_50 = tpu.memref_slice %arg5[%sub3A_44, %dma_start3A_49] : memref<2080x128xf32, #tpu.memory_space<vmem_shared>> -> memref<1024x128xf32, #tpu.memory_space<vmem_shared>>
      tpu.enqueue_dma source(%dma_start3A_50 : memref<1024x128xf32, #tpu.memory_space<vmem_shared>>) target(%dma_start3A_48 : memref<1024x128xf32, #tpu.memory_space<hbm>>) target_semaphore(%arg7 : memref<!tpu.dma_semaphore, #tpu.memory_space<semaphore_mem>>)
    }
    %scan3A_13 = arith.constant 32 : i32
    %scan3A_14 = arith.constant 0 : i32
    %scan3A_15 = arith.constant 8 : i32
    %scan3A_16 = arith.addi %scan3A_14, %scan3A_15 : i32
    %scan3A_17 = arith.constant 1 : i32
    scf.for %scan3A_19 = %scan3A_14 to %scan3A_16 step %scan3A_17  : i32 {
      %add3A_20 = arith.constant 24 : i32
      %add3A_21 = arith.addi %add3A_20, %scan3A_19 : i32
      %mul3A_22 = arith.constant 2 : i32
      %mul3A_23 = arith.muli %mul3A_22, %add3A_21 : i32
      %add3A_24 = arith.addi %mul3A_9, %mul3A_23 : i32
      %div3A = arith.constant 2 : i32
      %div3A_25 = arith.divsi %add3A_24, %div3A : i32
      %sub3A = arith.constant 1023 : i32
      %sub3A_26 = arith.subi %sub3A, %div3A_25 : i32
      %dma_wait3A = arith.constant 0 : i32
      %dma_wait3A_27 = arith.constant 0 : i32
      %dma_wait3A_28 = tpu.memref_slice %arg4[%add3A_24, %dma_wait3A, %dma_wait3A_27] : memref<2048x1024x128xf32, #tpu.memory_space<hbm>> -> memref<1x1024x128xf32, #tpu.memory_space<hbm>>
      %dma_wait3A_29 = tpu.memref_squeeze %dma_wait3A_28 : memref<1x1024x128xf32, #tpu.memory_space<hbm>> -> memref<1024x128xf32, #tpu.memory_space<hbm>>
      %dma_wait3A_30 = arith.constant 0 : i32
      %dma_wait3A_31 = tpu.memref_slice %arg6[%sub3A_26, %dma_wait3A_30] : memref<2079x128xf32, #tpu.memory_space<vmem_shared>> -> memref<1024x128xf32, #tpu.memory_space<vmem_shared>>
      tpu.wait_dma2 semaphore(%arg7 : memref<!tpu.dma_semaphore, #tpu.memory_space<semaphore_mem>>) src(%dma_wait3A_31 : memref<1024x128xf32, #tpu.memory_space<vmem_shared>>) dst(%dma_wait3A_29 : memref<1024x128xf32, #tpu.memory_space<hbm>>)
      %add3A_32 = arith.constant 24 : i32
      %add3A_33 = arith.addi %add3A_32, %scan3A_19 : i32
      %mul3A_34 = arith.constant 2 : i32
      %mul3A_35 = arith.muli %mul3A_34, %add3A_33 : i32
      %add3A_36 = arith.addi %mul3A_9, %mul3A_35 : i32
      %add3A_37 = arith.constant 1 : i32
      %add3A_38 = arith.addi %add3A_36, %add3A_37 : i32
      %sub3A_39 = arith.constant 1 : i32
      %sub3A_40 = arith.subi %add3A_38, %sub3A_39 : i32
      %div3A_41 = arith.constant 2 : i32
      %div3A_42 = arith.divsi %sub3A_40, %div3A_41 : i32
      %sub3A_43 = arith.constant 1023 : i32
      %sub3A_44 = arith.subi %sub3A_43, %div3A_42 : i32
      %dma_wait3A_45 = arith.constant 0 : i32
      %dma_wait3A_46 = arith.constant 0 : i32
      %dma_wait3A_47 = tpu.memref_slice %arg4[%add3A_38, %dma_wait3A_45, %dma_wait3A_46] : memref<2048x1024x128xf32, #tpu.memory_space<hbm>> -> memref<1x1024x128xf32, #tpu.memory_space<hbm>>
      %dma_wait3A_48 = tpu.memref_squeeze %dma_wait3A_47 : memref<1x1024x128xf32, #tpu.memory_space<hbm>> -> memref<1024x128xf32, #tpu.memory_space<hbm>>
      %dma_wait3A_49 = arith.constant 0 : i32
      %dma_wait3A_50 = tpu.memref_slice %arg5[%sub3A_44, %dma_wait3A_49] : memref<2080x128xf32, #tpu.memory_space<vmem_shared>> -> memref<1024x128xf32, #tpu.memory_space<vmem_shared>>
      tpu.wait_dma2 semaphore(%arg7 : memref<!tpu.dma_semaphore, #tpu.memory_space<semaphore_mem>>) src(%dma_wait3A_50 : memref<1024x128xf32, #tpu.memory_space<vmem_shared>>) dst(%dma_wait3A_48 : memref<1024x128xf32, #tpu.memory_space<hbm>>)
    }
    %scan3A_18 = arith.constant 8 : i32
    return
  }
}

module attributes {stable_mosaic.version = 14 : i64} {
  func.func @_build_ext_kernel(%arg0: memref<509x64xf32, #tpu.memory_space<vmem>>, %arg1: memref<4160x64xf32, #tpu.memory_space<vmem>>) attributes {dimension_semantics = [], scalar_prefetch = 0 : i64, scratch_operands = 0 : i64, tpu.core_type = #tpu.core_type<tc>} {
    %get3A = arith.constant 0 : index
    %get3A_0 = arith.constant 0 : index
    %get3A_1 = vector.load %arg0[%get3A, %get3A_0] : memref<509x64xf32, #tpu.memory_space<vmem>>, vector<1x64xf32>
    %broadcast_in_dim3A = vector.shape_cast %get3A_1 : vector<1x64xf32> to vector<1x64xf32>
    %broadcast_in_dim3A_2 = vector.broadcast %broadcast_in_dim3A : vector<1x64xf32> to vector<1793x64xf32>
    %swap3A = arith.constant 0 : index
    %swap3A_3 = arith.constant 0 : index
    %swap3A_4 = vector.load %arg1[%swap3A, %swap3A_3] : memref<4160x64xf32, #tpu.memory_space<vmem>>, vector<1793x64xf32>
    tpu.vector_store %arg1[%swap3A, %swap3A_3], %broadcast_in_dim3A_2 {strides = array<i32>} : memref<4160x64xf32, #tpu.memory_space<vmem>>, vector<1793x64xf32>,
    %get3A_5 = arith.constant 0 : index
    %get3A_6 = arith.constant 0 : index
    %get3A_7 = vector.load %arg0[%get3A_5, %get3A_6] : memref<509x64xf32, #tpu.memory_space<vmem>>, vector<509x64xf32>
    %swap3A_8 = arith.constant 1793 : index
    %swap3A_9 = arith.constant 0 : index
    %swap3A_10 = vector.load %arg1[%swap3A_8, %swap3A_9] : memref<4160x64xf32, #tpu.memory_space<vmem>>, vector<509x64xf32>
    tpu.vector_store %arg1[%swap3A_8, %swap3A_9], %get3A_7 {strides = array<i32>} : memref<4160x64xf32, #tpu.memory_space<vmem>>, vector<509x64xf32>,
    %get3A_11 = arith.constant 508 : index
    %get3A_12 = arith.constant 0 : index
    %get3A_13 = vector.load %arg0[%get3A_11, %get3A_12] : memref<509x64xf32, #tpu.memory_space<vmem>>, vector<1x64xf32>
    %broadcast_in_dim3A_14 = vector.shape_cast %get3A_13 : vector<1x64xf32> to vector<1x64xf32>
    %broadcast_in_dim3A_15 = vector.broadcast %broadcast_in_dim3A_14 : vector<1x64xf32> to vector<1858x64xf32>
    %swap3A_16 = arith.constant 2302 : index
    %swap3A_17 = arith.constant 0 : index
    %swap3A_18 = vector.load %arg1[%swap3A_16, %swap3A_17] : memref<4160x64xf32, #tpu.memory_space<vmem>>, vector<1858x64xf32>
    tpu.vector_store %arg1[%swap3A_16, %swap3A_17], %broadcast_in_dim3A_15 {strides = array<i32>} : memref<4160x64xf32, #tpu.memory_space<vmem>>, vector<1858x64xf32>,
    return
  }
}

</mosaic_0001>

<sc_bundles>
// kernel: kernel.4.cloned.1.call-start
scs
__scs_entry_jumppad:
0x0: {  	(pc) =	sbr.rel $0x88, $3  }
0x1: {  	(tag) =	ssettag $0x0;
	lr =	simm.s32 $0x1  }
0x2: {  	[smem:$0x3FA0] =	sst lr;
	_ =	strace $0xD0000000  }
0x3: {  	_ = 	snop  }
0x4: {  	_ = 	snop  }
0x5: {  	_ = 	snop  }
0x6: {  	_ = 	snop  }
0x7: {  	_ = 	snop  }
__scs_overlays_trampoline_lowered:
0x8: {  	[smem:$0x3FAF] =	sst s0  }
0x9: {  	[smem:$0x3FB0] =	sst s1  }
0xa: {  	[smem:$0x3FB1] =	sst s2  }
0xb: {  	[smem:$0x3FB2] =	sst s3  }
0xc: {  	[smem:$0x3FB3] =	sst s4  }
0xd: {  	[smem:$0x3FB4] =	sst s5  }
0xe: {  	[smem:$0x3FB5] =	sst s6  }
0xf: {  	[smem:$0x3FB6] =	sst s7  }
0x10: {  	[smem:$0x3FB7] =	sst s8  }
0x11: {  	[smem:$0x3FB8] =	sst s9;
	s0 =	simm.s32 @!p0 $0x0  }
0x12: {  	s1 =	sld [smem:$0x3F9E];
	s0 =	simm.s32 @p0 $0x1  }
0x13: {  	[smem:$0x3FB9] =	sst s0;
	s0 =	simm.s32 @!p1 $0x0  }
0x14: {  	s2 =	sld [smem:$0x3F9D];
	s0 =	simm.s32 @p1 $0x1  }
0x15: {  	[smem:$0x3FBA] =	sst s0;
	s0 =	simm.s32 @!p2 $0x0  }
0x16: {  	s3 =	sld [smem:$0x3FDB];
	s0 =	simm.s32 @p2 $0x1  }
0x17: {  	s4 =	simm.s32 $0x1BF5;
	[smem:$0x3FBC] =	sst s0  }
0x18: {  	s0 =	sld [smem:$0x3F9F];
	_ =	swait.ge [sflag:s4], $0x0  }
0x19: {  	s7 =	sld [smem:$0x3FA0]  }
0x1a: {  	s8 =	sadd.s32 $0xFFFFE003, lr  }
0x1b: {  	s9 =	sadd.s32 $0xFFFFFEF7, lr;
	s5 =	simm.s32 $0xFFFFFFFF;
	p2 =	slt.u32 s8, $0xFFFFF086  }
0x1c: {  	p1 =	slt.u32 s9, $0xF7A;
	s5 =	simm.s32 @!p2 $0x0  }
0x1d: {  	s5 =	simm.s32 @p1 $0x1;
	p0 =	seq.s32 s7, s2  }
0x1e: {  	s7 =	smul.u32 @!p0 $0xF7A, s2;
	p2 =	seq.s32 @!p0 s5, $0x0  }
0x1f: {  	s9 =	smul.u32 $0xF7A, s1;
	s8 =	simm.s32 @!p0 $0x1BF5;
	p2 =	por !p2, p0  }
0x20: {  	[sflag:s8] =	ssyncset.s32 @!p0 $0xFFFFF086;
	s6 =	sadd.s32 @!p0 s3, s7;
	s7 =	simm.s32 @!p0 $0x108  }
0x21: {  	s3 =	sadd.s32 s3, s9;
	s6 =	sadd.s32 @!p0 $0x88, s6;
	s7 =	simm.s32 @p2 $0x1082  }
0x22: {  	[simem:s7], [sflag:s8] =	dma.local @!p0 [hbm:s6], $0xF7A  }
0x23: {  	s9 =	sor.u32 $0xD0000000, s2;
	s6 =	simm.s32 $0x108;
	_ =	swait.ge @!p0 [sflag:s8], $0x0  }
0x24: {  	s3 =	sadd.s32 $0x88, s3;
	s6 =	simm.s32 @!p1 $0x1082;
	[sflag:s4] =	ssyncset.s32 $0xFFFFF086  }
0x25: {  	[simem:s6], [sflag:s4] =	dma.local [hbm:s3], $0xF7A  }
0x26: {  	[smem:$0x3FA0] =	sst s1;
	(tag) =	ssettag s2;
	_ =	strace s9  }
0x27: {  	s1 =	sld [smem:$0x3FB0]  }
0x28: {  	s2 =	sld [smem:$0x3FB1]  }
0x29: {  	s4 =	sld [smem:$0x3FB3]  }
0x2a: {  	p0 =	seq.s32 s5, $0x0;
	s5 =	sld [smem:$0x3FB4]  }
0x2b: {  	s6 =	sld [smem:$0x3FB5]  }
0x2c: {  	s7 =	sld [smem:$0x3FB6]  }
0x2d: {  	s3 =	simm.s32 $0x108;
	s8 =	sld [smem:$0x3FB7]  }
0x2e: {  	s3 =	simm.s32 @!p0 $0x1082;
	s9 =	sld [smem:$0x3FB8]  }
0x2f: {  	lr =	sadd.s32 s0, s3;
	s0 =	sld [smem:$0x3FAF]  }
0x30: {  	s3 =	sld [smem:$0x3FB2]  }
0x31: {  	[smem:$0x3FBB] =	sst s10  }
0x32: {  	s10 =	sld [smem:$0x3FB9];
	_ =	sdelay $0x3  }
0x33: {  	p0 =	seq.s32 s10, $0x1;
	s10 =	sld [smem:$0x3FBB];
	_ =	sdelay $0x3  }
0x34: {  	[smem:$0x3FBB] =	sst s10  }
0x35: {  	s10 =	sld [smem:$0x3FBA];
	_ =	sdelay $0x3  }
0x36: {  	p1 =	seq.s32 s10, $0x1;
	s10 =	sld [smem:$0x3FBB];
	_ =	sdelay $0x3  }
0x37: {  	[smem:$0x3FBB] =	sst s10  }
0x38: {  	s10 =	sld [smem:$0x3FBC]  }
0x39: {  	_ = 	snop;
	(pc) =	sbr.ind lr, $3  }
0x3a: {  	_ = 	snop  }
0x3b: {  	_ = 	snop  }
0x3c: {  	p2 =	seq.s32 s10, $0x1;
	s10 =	sld [smem:$0x3FBB]  }
0x3d: {  	_ =	shalt  }
0x3e: {  	_ =	shalt  }
0x3f: {  	_ =	shalt  }
0x40: {  	_ =	shalt  }
0x41: {  	_ =	shalt  }
0x42: {  	_ =	shalt  }
0x43: {  	_ =	shalt  }
0x44: {  	_ =	shalt  }
0x45: {  	_ =	shalt  }
0x46: {  	_ =	shalt  }
0x47: {  	_ =	shalt  }
0x48: {  	_ =	shalt  }
0x49: {  	_ =	shalt  }
0x4a: {  	_ =	shalt  }
0x4b: {  	_ =	shalt  }
0x4c: {  	_ =	shalt  }
0x4d: {  	_ =	shalt  }
0x4e: {  	_ =	shalt  }
0x4f: {  	_ =	shalt  }
0x50: {  	_ =	shalt  }
0x51: {  	_ =	shalt  }
0x52: {  	_ =	shalt  }
0x53: {  	_ =	shalt  }
0x54: {  	_ =	shalt  }
0x55: {  	_ =	shalt  }
0x56: {  	_ =	shalt  }
0x57: {  	_ =	shalt  }
0x58: {  	_ =	shalt  }
0x59: {  	_ =	shalt  }
0x5a: {  	_ =	shalt  }
0x5b: {  	_ =	shalt  }
0x5c: {  	_ =	shalt  }
0x5d: {  	_ =	shalt  }
0x5e: {  	_ =	shalt  }
0x5f: {  	_ =	shalt  }
0x60: {  	_ =	shalt  }
0x61: {  	_ =	shalt  }
0x62: {  	_ =	shalt  }
0x63: {  	_ =	shalt  }
0x64: {  	_ =	shalt  }
0x65: {  	_ =	shalt  }
0x66: {  	_ =	shalt  }
0x67: {  	_ =	shalt  }
0x68: {  	_ =	shalt  }
0x69: {  	_ =	shalt  }
0x6a: {  	_ =	shalt  }
0x6b: {  	_ =	shalt  }
0x6c: {  	_ =	shalt  }
0x6d: {  	_ =	shalt  }
0x6e: {  	_ =	shalt  }
0x6f: {  	_ =	shalt  }
0x70: {  	_ =	shalt  }
0x71: {  	_ =	shalt  }
0x72: {  	_ =	shalt  }
0x73: {  	_ =	shalt  }
0x74: {  	_ =	shalt  }
0x75: {  	_ =	shalt  }
0x76: {  	_ =	shalt  }
0x77: {  	_ =	shalt  }
0x78: {  	_ =	shalt  }
0x79: {  	_ =	shalt  }
0x7a: {  	_ =	shalt  }
0x7b: {  	_ =	shalt  }
0x7c: {  	_ =	shalt  }
0x7d: {  	_ =	shalt  }
0x7e: {  	_ =	shalt  }
0x7f: {  	_ =	shalt  }
0x80: {  	_ =	shalt  }
0x81: {  	_ =	shalt  }
0x82: {  	_ =	shalt  }
0x83: {  	_ =	shalt  }
0x84: {  	_ =	shalt  }
0x85: {  	_ =	shalt  }
0x86: {  	_ =	shalt  }
0x87: {  	_ =	shalt  }
.Lfunc_end0:
.L_simem_size_0:
called_computation.1_lowered:
.L_overlay_start_0:
0x88: {  	s2 =	sld [smem:$0x3FD9]  }
0x89: {  	s3 =	sld [smem:$0x3FFE];
	_ =	sdelay $0x1  }
0x8a: {  	s1 =	srdreg.scid  }
0x8b: {  	s0 =	sand.u32 $0x1, s1  }
0x8c: {  	s17 =	sshll.u32 s0, $0xA;
	s2 =	sadd.s32 s3, s2  }
0x8d: {  	s2 =	sadd.s32 s2, s17  }
0x8e: {  	[smem:$0x3FC7] =	sst s2  }
0x8f: {  	_ = 	snop  }
0x90: {  	s2 =	sld [smem:$0x3FD0];
	(tm) =	ssettm $0x1  }
0x91: {  	s18 =	sld [smem:$0x3FFB];
	_ =	sdelay $0x3  }
0x92: {  	_ =	strace s18  }
0x93: {  	s3 =	sld [smem:$0x3FFC];
	_ =	sdelay $0x3  }
0x94: {  	_ =	strace s3  }
0x95: {  	s3 =	sld [smem:$0x3FFD];
	_ =	sdelay $0x3  }
0x96: {  	_ =	strace s3  }
0x97: {  	_ =	strace $0x8FFFFFFF  }
0x98: {  	s19 =	sld [smem:$0x3FDB];
	_ =	sdelay $0x1  }
0x99: {  	s4 =	simm.s32 $_scs_section_size  }
0x9a: {  	s5 =	simm.s32 $_size__tile_overlayer_lowered;
	s6 =	simm.s32 $_tile_overlayer_lowered  }
0x9b: {  	s22 =	simm.s32 $0x1BFF;
	s21 =	sshll.u32 s6, $0x1;
	s3 =	sadd.s32 s4, s19  }
0x9c: {  	s7 =	simm.s32 $0x0;
	s20 =	sshll.u32 s5, $0x1;
	s5 =	sadd.s32 s21, s3  }
0x9d: {  	[timem:s7], [sflag:s22] =	dma.local [hbm:s5], s20  }
0x9e: {  	_ =	swait.ge [sflag:s22], s20  }
0x9f: {  	s4 =	ssub.s32 $0x0, s20;
	[sflag:s22] =	ssyncset.done $0x0  }
0xa0: {  	[sflag:s22] =	ssyncadd.s32 s4;
	_ =	sdelay $0x1  }
0xa1: {  	s23 =	simm.s32 $0x1B8B  }
0xa2: {  	_ =	swait.ge [sflag:s23], $0x1  }
0xa3: {  	[sflag:s23] =	ssyncset.done $0x0  }
0xa4: {  	s25 =	simm.s32 $0x1B8E;
	s24 =	sld [smem:$0x3FFE];
	[sflag:s23] =	ssyncadd.s32 $0xFFFFFFFF  }
0xa5: {  	s26 =	simm.s32 $execute0_lowered;
	[smem:$0x3FD2] =	sst s25  }
0xa6: {  	s5 =	sshll.u32 s26, $0x1;
	_ =	strace $0x80000046;
	[dreg:$0x1] =	wrdreg $0xFFFFFFFF  }
0xa7: {  	s28 =	simm.s32 $_size_execute0_lowered;
	s3 =	sadd.s32 s3, s5;
	[dreg:$0x0] =	wrdreg $0x0  }
0xa8: {  	s5 =	sshll.u32 s28, $0x1;
	[dreg:$0x2] =	wrdreg s3  }
0xa9: {  	[dreg:$0x3] =	wrdreg s5  }
0xaa: {  	[dreg:$0x4] =	wrdreg $0xC0  }
0xab: {  	_ =	task [dreg:s7], $0x5FFFF  }
0xac: {  	[dreg:$0x1] =	wrdreg $0xFFFFFFFF  }
0xad: {  	[dreg:$0x0] =	wrdreg $0x60  }
0xae: {  	[dreg:$0x2] =	wrdreg s24  }
0xaf: {  	[dreg:$0x3] =	wrdreg s2  }
0xb0: {  	[dreg:$0x4] =	wrdreg $0x0  }
0xb1: {  	[dreg:$0x5] =	wrdreg $0x41000  }
0xb2: {  	[dreg:$0x6] =	wrdreg $0x9  }
0xb3: {  	_ =	task.clear_ibuf [dreg:s7], $0x7FFFF;
	_ =	strace $0x90000046  }
0xb4: {  	s29 =	simm.s32 $0x9;
	_ =	strace $0x80000048  }
0xb5: {  	_ =	swait.ge [sflag:s29], $0x1  }
0xb6: {  	[sflag:s29] =	ssyncadd.s32 $0xFFFFFFFF  }
0xb7: {  	_ =	strace $0x90000048  }
0xb8: {  	_ =	sfence  }
0xb9: {  	s30 =	sld [smem:$0x0];
	_ =	sdelay $0x2  }
0xba: {  	s31 =	sshll.u32 s1, $0xD;
	s1 =	sshrl.u32 s1, $0x2  }
0xbb: {  	s3 =	sand.u32 $0x4000, s31;
	s1 =	sadd.s32 s1, s30  }
0xbc: {  	s0 =	sor.u32 s3, s0;
	s1 =	sshll.u32 s1, $0x11  }
0xbd: {  	s0 =	sor.u32 s1, s0  }
0xbe: {  	s0 =	sadd.s32 $0x8F2B, s0  }
0xbf: {  	[sflag:s0] =	ssyncadd.remote.s32 $0x1  }
0xc0: {  	_ =	sfence.sel $0xFFFF  }
0xc1: {  	[dreg:$0x0] =	wrdreg $0xFFFFFFFF;
	(pc) =	sbr.abs _section_cstart, $3  }
0xc2: {  	[dreg:$0x1] =	wrdreg $0xFFFFFFFF  }
0xc3: {  	_ =	task.clear_ibuf [dreg:s7], $0x2FFFF;
	_ =	strace $0x9FFFFFFF  }
0xc4: {  	(tm) =	ssettm $0x7FFFFFFF  }
0xc5: {  	_ =	shalt  }
tec
execute0_lowered:
.L_overlay_start_1:
0x0: {  	(tag) =	ssettag $0x1  }
0x1: {  	s4 =	rddreg [dreg:$0x0]  }
0x2: {  	s6 =	rddreg [dreg:$0x1]  }
0x3: {  	s10 =	rddreg [dreg:$0x2]  }
0x4: {  	s9 =	rddreg [dreg:$0x3]  }
0x5: {  	s0 =	rddreg [dreg:$0x4];
	s1 =	simm.s32 $0x0;
	s2 =	srdreg.scid  }
0x6: {  	[smem:$0x7FF] =	sst s1;
	s7 =	sand.u32 $0x1, s2;
	s3 =	sadd.s32 $0x800, s4  }
0x7: {  	s2 =	stileid.u32;
	s4 =	sadd.s32 $0x8A00, s4;
	_ =	strace $0x80000047  }
0x8: {  	s5 =	ssub.s32 $0x2, s7;
	s11 =	sshll.u32 s2, $0xE;
	s12 =	sshll.u32 s7, $0x12  }
0x9: {  	s7 =	sshll.u32 s7, $0x18;
	s30 =	sshll.u32 s2, $0x14;
	p0 =	seq.s32 s2, $0x1  }
0xa: {  	s31 =	sshll.u32 s2, $0x6;
	s8 =	sshrl.u32 s5, $0x1;
	s29 =	sor.u32 s12, s11  }
0xb: {  	s7 =	sadd.s32 s7, s6;
	p1 =	sne.s32 @!p0 s2, $0x0;
	s12 =	simm.s32 $0x1  }
0xc: {  	s5 =	ssub.s32 s5, s8;
	s8 =	sxor.u32 $0x7FE00, s29;
	s11 =	sadd.s32 s30, s7  }
0xd: {  	p1 =	por p1, p0;
	s5 =	smax.u32 s5, $0x1;
	s8 =	sshrl.u32 s8, $0x2  }
0xe: {  	s6 =	sadd.s32 s8, s10;
	s7 =	sadd.s32 s8, s9;
	s8 =	sadd.s32 $0x4000, s11  }
0xf: {  	s9 =	sshrl.u32 @p0 s9, $0x3;
	s10 =	sshrl.u32 @!p1 s10, $0x3;
	s11 =	sor.u32 $0x1C01, s31  }
.LBB2_1:
0x10: {  	s13 =	simm.s32 @p0 $0x1C42  }
0x11: {  	[spmem:s9], [sflag:s13] =	dma.local @p0 [hbm:s4], $0x81F0  }
0x12: {  	s13 =	simm.s32 @p0 $0x2  }
0x13: {  	_ =	swait.ge @p0 [sflag:s13], $0x81F0  }
0x14: {  	[sflag:s13] =	ssyncset.done @p0 $0x0  }
0x15: {  	[sflag:s13] =	ssyncadd.s32 @p0 $0xFFFF7E10;
	s13 =	simm.s32 @!p1 $0x1C02  }
0x16: {  	[spmem:s10], [sflag:s13] =	dma.local @!p1 [hbm:s3], $0x8200  }
0x17: {  	s13 =	simm.s32 @!p1 $0x2  }
0x18: {  	_ =	swait.ge @!p1 [sflag:s13], $0x8200  }
0x19: {  	p2 =	por $0x1, $0x1;
	[sflag:s13] =	ssyncset.done @!p1 $0x0  }
0x1a: {  	p2 =	por p2, p2;
	[sflag:s13] =	ssyncadd.s32 @!p1 $0xFFFF7E00  }
0x1b: {  	s14 =	simm.s32 @!p2 $0x1;
	[bflag:$0x0] =	sbarrier.arrive $0xFFFF  }
0x1c: {  	_ =	swait.ge @!p2 [sflag:s14], $0x4000  }
0x1d: {  	[sflag:s14] =	ssyncset.done @!p2 $0x0  }
0x1e: {  	s15 =	sadd.s32 $0x0, s7;
	s16 =	sadd.s32 $0xFFFFC000, s8;
	[sflag:s14] =	ssyncadd.s32 @!p2 $0xFFFFC000  }
0x1f: {  	s17 =	sadd.s32 $0x0, s6;
	s31 =	sshrl.u32 s15, $0x3;
	_ =	swait.ge @!p2 [sflag:s14], $0x4000  }
0x20: {  	s15 =	simm.s32 $0xFFFFFC00;
	s18 =	sshrl.u32 s17, $0x3;
	[sflag:s14] =	ssyncset.done @!p2 $0x0  }
0x21: {  	s17 =	smov.u32 s8;
	s13 =	simm.s32 $0xFFFFFE00;
	[sflag:s14] =	ssyncadd.s32 @!p2 $0xFFFFC000  }
0x22: {  	[hbm:s16], [sflag:s11] =	dma.local [spmem:s31], $0x4000  }
0x23: {  	p2 =	por $0x1, $0x1;
	s14 =	sadd.s32 $0x8000, s8;
	s16 =	simm.s32 $0x2  }
.LBB2_2:
0x24: {  	[hbm:s17], [sflag:s11] =	dma.local [spmem:s18], $0x4000  }
0x25: {  	s18 =	smov.u32 s13  }
0x26: {  	s13 =	smov.u32 s15;
	s17 =	smov.u32 s14;
	p3 =	por p2, p2  }
0x27: {  	p2 =	slt.u32 s16, $0x8;
	s15 =	sadd.s32 $0xFFFFFE00, s15;
	s19 =	simm.s32 @!p3 $0x1  }
0x28: {  	p4 =	sne.s32 s15, $0xFFFFC000;
	_ =	swait.ge @!p3 [sflag:s19], $0x4000  }
0x29: {  	s14 =	sadd.s32 $0x8000, s14;
	[sflag:s19] =	ssyncset.done @!p3 $0x0  }
.Ltmp0:
0x2a: {  	s20 =	sadd.s32 $0xFFFFC000, s17;
	[sflag:s19] =	ssyncadd.s32 @!p3 $0xFFFFC000;
	(pc) =	sbr.rel @p4 .LBB2_2-.Ltmp0, $4  }
0x2b: {  	s16 =	sadd.s32 $0x1, s16;
	s18 =	sshra.s32 s18, $0x2;
	_ =	swait.ge @!p3 [sflag:s19], $0x4000  }
0x2c: {  	s21 =	sadd.s32 s18, s7;
	s18 =	sadd.s32 s18, s6;
	[sflag:s19] =	ssyncset.done @!p3 $0x0  }
0x2d: {  	s18 =	sshrl.u32 s18, $0x3;
	[sflag:s19] =	ssyncadd.s32 @!p3 $0xFFFFC000;
	s19 =	sshrl.u32 s21, $0x3  }
0x2e: {  	[hbm:s20], [sflag:s11] =	dma.local [spmem:s19], $0x4000  }
0x2f: {  	[hbm:s17], [sflag:s11] =	dma.local [spmem:s18], $0x4000  }
0x30: {  	p2 =	por p2, p2  }
0x31: {  	s15 =	simm.s32 @!p2 $0x1  }
0x32: {  	_ =	swait.ge @!p2 [sflag:s15], $0x4000  }
0x33: {  	[sflag:s15] =	ssyncset.done @!p2 $0x0  }
0x34: {  	[sflag:s15] =	ssyncadd.s32 @!p2 $0xFFFFC000  }
0x35: {  	s16 =	sadd.s32 $0xFFFFC000, s14;
	s13 =	sshra.s32 s13, $0x2;
	_ =	swait.ge @!p2 [sflag:s15], $0x4000  }
0x36: {  	s30 =	sadd.s32 s13, s7;
	s13 =	sadd.s32 s13, s6;
	[sflag:s15] =	ssyncset.done @!p2 $0x0  }
0x37: {  	s31 =	sshrl.u32 s30, $0x3;
	s13 =	sshrl.u32 s13, $0x3;
	[sflag:s15] =	ssyncadd.s32 @!p2 $0xFFFFC000  }
0x38: {  	[hbm:s16], [sflag:s11] =	dma.local [spmem:s31], $0x4000  }
0x39: {  	[hbm:s14], [sflag:s11] =	dma.local [spmem:s13], $0x4000  }
0x3a: {  	_ =	swait.ge [sflag:s12], $0x4000  }
0x3b: {  	[sflag:s12] =	ssyncset.done $0x0  }
0x3c: {  	[sflag:s12] =	ssyncadd.s32 $0xFFFFC000  }
0x3d: {  	_ =	swait.ge [sflag:s12], $0x4000  }
0x3e: {  	[sflag:s12] =	ssyncset.done $0x0  }
0x3f: {  	[sflag:s12] =	ssyncadd.s32 $0xFFFFC000  }
0x40: {  	_ =	swait.ge [sflag:s12], $0x4000  }
0x41: {  	[sflag:s12] =	ssyncset.done $0x0  }
0x42: {  	[sflag:s12] =	ssyncadd.s32 $0xFFFFC000  }
0x43: {  	_ =	swait.ge [sflag:s12], $0x4000  }
0x44: {  	[sflag:s12] =	ssyncset.done $0x0  }
0x45: {  	[sflag:s12] =	ssyncadd.s32 $0xFFFFC000  }
0x46: {  	_ =	swait.ge [sflag:s12], $0x4000  }
0x47: {  	[sflag:s12] =	ssyncset.done $0x0  }
0x48: {  	[sflag:s12] =	ssyncadd.s32 $0xFFFFC000  }
0x49: {  	_ =	swait.ge [sflag:s12], $0x4000  }
0x4a: {  	[sflag:s12] =	ssyncset.done $0x0  }
0x4b: {  	[sflag:s12] =	ssyncadd.s32 $0xFFFFC000  }
0x4c: {  	_ =	swait.ge [sflag:s12], $0x4000  }
0x4d: {  	[sflag:s12] =	ssyncset.done $0x0  }
0x4e: {  	[sflag:s12] =	ssyncadd.s32 $0xFFFFC000  }
0x4f: {  	_ =	swait.ge [sflag:s12], $0x4000  }
0x50: {  	[sflag:s12] =	ssyncset.done $0x0  }
0x51: {  	[sflag:s12] =	ssyncadd.s32 $0xFFFFC000  }
0x52: {  	_ =	swait.ge [sflag:s12], $0x4000  }
0x53: {  	[sflag:s12] =	ssyncset.done $0x0  }
0x54: {  	[sflag:s12] =	ssyncadd.s32 $0xFFFFC000  }
0x55: {  	_ =	swait.ge [sflag:s12], $0x4000  }
0x56: {  	[sflag:s12] =	ssyncset.done $0x0  }
0x57: {  	[sflag:s12] =	ssyncadd.s32 $0xFFFFC000  }
0x58: {  	_ =	swait.ge [sflag:s12], $0x4000  }
0x59: {  	[sflag:s12] =	ssyncset.done $0x0  }
0x5a: {  	[sflag:s12] =	ssyncadd.s32 $0xFFFFC000  }
0x5b: {  	_ =	swait.ge [sflag:s12], $0x4000  }
0x5c: {  	[sflag:s12] =	ssyncset.done $0x0  }
0x5d: {  	[sflag:s12] =	ssyncadd.s32 $0xFFFFC000  }
0x5e: {  	_ =	swait.ge [sflag:s12], $0x4000  }
0x5f: {  	[sflag:s12] =	ssyncset.done $0x0  }
0x60: {  	[sflag:s12] =	ssyncadd.s32 $0xFFFFC000  }
0x61: {  	_ =	swait.ge [sflag:s12], $0x4000  }
0x62: {  	[sflag:s12] =	ssyncset.done $0x0  }
0x63: {  	s1 =	sadd.s32 $0x1, s1;
	[sflag:s12] =	ssyncadd.s32 $0xFFFFC000  }
0x64: {  	p2 =	sne.s32 s1, s5;
	_ =	swait.ge [sflag:s12], $0x4000  }
.Ltmp1:
0x65: {  	[sflag:s12] =	ssyncset.done $0x0;
	(pc) =	sbr.rel @p2 .LBB2_1-.Ltmp1, $4  }
0x66: {  	[sflag:s12] =	ssyncadd.s32 $0xFFFFC000  }
0x67: {  	_ =	swait.ge [sflag:s12], $0x4000  }
0x68: {  	[sflag:s12] =	ssyncset.done $0x0  }
0x69: {  	[sflag:s12] =	ssyncadd.s32 $0xFFFFC000  }
0x6a: {  	_ =	sfence.sel $0x180000  }
0x6b: {  	[bflag:$0x0] =	sbarrier.arrive $0xFFFF  }
0x6c: {  	p0 =	sne.s32 s2, $0x0;
	_ =	strace $0x90000047  }
0x6d: {  	s0 =	sadd.s32 @!p0 $0x100000, s0;
	[bflag:$0x2] =	sbarrier.arrive $0xFFFF  }
0x6e: {  	[sflag:s0] =	ssyncadd.tile.s32 @!p0 $0x1;
	_ =	shalt  }
.Lfunc_end2:
_tile_overlayer_lowered:
.L_overlay_start_2:
0x6f: {  	(tag) =	ssettag $0x2  }
0x70: {  	s0 =	rddreg [dreg:$0x0];
	s2 =	stileid.u32  }
0x71: {  	s1 =	rddreg [dreg:$0x1];
	p0 =	sne.s32 s2, $0x0  }
0x72: {  	s3 =	rddreg [dreg:$0x2];
	[bflag:$0x3] =	sbarrier.arrive $0xFFFF;
	s2 =	simm.s32 @!p0 $0x1C02  }
0x73: {  	[timem:s3], [sflag:s2] =	dma.local @!p0 [hbm:s0], s1  }
0x74: {  	s0 =	simm.s32 @!p0 $0x2  }
0x75: {  	_ =	swait.ge @!p0 [sflag:s0], s1  }
0x76: {  	s1 =	ssub.s32 @!p0 $0x0, s1;
	[sflag:s0] =	ssyncset.done @!p0 $0x0  }
0x77: {  	[sflag:s0] =	ssyncadd.s32 @!p0 s1  }
0x78: {  	[bflag:$0x3] =	sbarrier.arrive $0xFFFF  }
0x79: {  	_ =	shalt  }

// kernel: sparse-core-data-format-call.cloned.1.call-start
scs
called_computation_lowered:
.L_overlay_start_0:
0x0: {  	s2 =	sld [smem:$0x3FD9]  }
0x1: {  	s3 =	sld [smem:$0x3FFE];
	_ =	sdelay $0x1  }
0x2: {  	s1 =	srdreg.scid  }
0x3: {  	s0 =	sand.u32 $0x1, s1  }
0x4: {  	s18 =	sshll.u32 s0, $0xA;
	s2 =	sadd.s32 s3, s2  }
0x5: {  	s2 =	sadd.s32 s2, s18  }
0x6: {  	[smem:$0x3FC7] =	sst s2  }
0x7: {  	_ = 	snop  }
0x8: {  	s2 =	sld [smem:$0x3FD0];
	(tm) =	ssettm $0x1  }
0x9: {  	s19 =	sld [smem:$0x3FFB];
	_ =	sdelay $0x3  }
0xa: {  	_ =	strace s19  }
0xb: {  	s3 =	sld [smem:$0x3FFC];
	_ =	sdelay $0x3  }
0xc: {  	_ =	strace s3  }
0xd: {  	s3 =	sld [smem:$0x3FFD];
	_ =	sdelay $0x3  }
0xe: {  	_ =	strace s3  }
0xf: {  	_ =	strace $0x8FFFFFFF  }
0x10: {  	s20 =	sld [smem:$0x3FDB];
	_ =	sdelay $0x1  }
0x11: {  	s4 =	simm.s32 $_scs_section_size  }
0x12: {  	s5 =	simm.s32 $_size__tile_overlayer_lowered;
	s6 =	simm.s32 $_tile_overlayer_lowered  }
0x13: {  	s23 =	simm.s32 $0x1BFF;
	s22 =	sshll.u32 s6, $0x1;
	s3 =	sadd.s32 s4, s20  }
0x14: {  	s7 =	simm.s32 $0x0;
	s21 =	sshll.u32 s5, $0x1;
	s5 =	sadd.s32 s22, s3  }
0x15: {  	[timem:s7], [sflag:s23] =	dma.local [hbm:s5], s21  }
0x16: {  	_ =	swait.ge [sflag:s23], s21  }
0x17: {  	s4 =	ssub.s32 $0x0, s21;
	[sflag:s23] =	ssyncset.done $0x0  }
0x18: {  	[sflag:s23] =	ssyncadd.s32 s4;
	_ =	sdelay $0x1  }
0x19: {  	s24 =	simm.s32 $0x1B8B  }
0x1a: {  	_ =	swait.ge [sflag:s24], $0x1  }
0x1b: {  	[sflag:s24] =	ssyncset.done $0x0  }
0x1c: {  	s26 =	simm.s32 $0x1B8E;
	s25 =	sld [smem:$0x3FFE];
	[sflag:s24] =	ssyncadd.s32 $0xFFFFFFFF  }
0x1d: {  	s27 =	simm.s32 $execute0_lowered;
	[smem:$0x3FD2] =	sst s26  }
0x1e: {  	s5 =	sshll.u32 s27, $0x1;
	_ =	strace $0x80000049;
	[dreg:$0x1] =	wrdreg $0xFFFFFFFF  }
0x1f: {  	s28 =	simm.s32 $_size_execute0_lowered;
	s3 =	sadd.s32 s3, s5;
	[dreg:$0x0] =	wrdreg $0x0  }
0x20: {  	s5 =	sshll.u32 s28, $0x1;
	[dreg:$0x2] =	wrdreg s3  }
0x21: {  	[dreg:$0x3] =	wrdreg s5  }
0x22: {  	[dreg:$0x4] =	wrdreg $0xC0  }
0x23: {  	_ =	task [dreg:s7], $0x5FFFF  }
0x24: {  	[dreg:$0x1] =	wrdreg $0xFFFFFFFF  }
0x25: {  	[dreg:$0x0] =	wrdreg $0x60  }
0x26: {  	[dreg:$0x2] =	wrdreg s25  }
0x27: {  	[dreg:$0x3] =	wrdreg s2  }
0x28: {  	[dreg:$0x4] =	wrdreg $0x9  }
0x29: {  	_ =	task.clear_ibuf [dreg:s7], $0x5FFFF;
	_ =	strace $0x90000049  }
0x2a: {  	s29 =	simm.s32 $0x9;
	_ =	strace $0x8000004B  }
0x2b: {  	_ =	swait.ge [sflag:s29], $0x1  }
0x2c: {  	[sflag:s29] =	ssyncadd.s32 $0xFFFFFFFF  }
0x2d: {  	_ =	strace $0x9000004B  }
0x2e: {  	_ =	sfence  }
0x2f: {  	s30 =	sld [smem:$0x0];
	_ =	sdelay $0x2  }
0x30: {  	s31 =	sshll.u32 s1, $0xD;
	s1 =	sshrl.u32 s1, $0x2  }
0x31: {  	s3 =	sand.u32 $0x4000, s31;
	s1 =	sadd.s32 s1, s30  }
0x32: {  	s0 =	sor.u32 s3, s0;
	s1 =	sshll.u32 s1, $0x11  }
0x33: {  	s0 =	sor.u32 s1, s0  }
0x34: {  	s0 =	sadd.s32 $0x8F2B, s0  }
0x35: {  	[sflag:s0] =	ssyncadd.remote.s32 $0x1  }
0x36: {  	_ =	sfence.sel $0xFFFF  }
0x37: {  	[dreg:$0x0] =	wrdreg $0xFFFFFFFF;
	(pc) =	sbr.abs _section_cstart, $3  }
0x38: {  	[dreg:$0x1] =	wrdreg $0xFFFFFFFF  }
0x39: {  	_ =	task.clear_ibuf [dreg:s7], $0x2FFFF;
	_ =	strace $0x9FFFFFFF  }
0x3a: {  	(tm) =	ssettm $0x7FFFFFFF  }
0x3b: {  	_ =	shalt  }
tec
execute0_lowered:
.L_overlay_start_1:
0x0: {  	(tag) =	ssettag $0x1  }
0x1: {  	s0 =	stileid.u32  }
0x2: {  	s2 =	srdreg.scid;
	s5 =	rddreg [dreg:$0x0]  }
0x3: {  	s6 =	simm.s32 $0x1;
	s31 =	simm.s32 $0x2;
	s14 =	simm.s32 $0x0  }
0x4: {  	s9 =	simm.s32 $0x20000;
	s16 =	simm.s32 $0x0;
	s1 =	sshll.u32 s0, $0x7  }
0x5: {  	s15 =	simm.s32 $0x0;
	s10 =	simm.s32 $0x0;
	s3 =	ssub.s32 $0x800, s1  }
0x6: {  	s13 =	simm.s32 $0x0;
	s2 =	sand.u32 $0x1, s2;
	s4 =	sand.u32 $0x780, s3  }
0x7: {  	s5 =	sadd.s32 $0x800, s5;
	s7 =	ssub.s32 $0x40, s2;
	p0 =	sne.s32 s4, $0x0  }
0x8: {  	s3 =	sshrl.u32 s3, $0xB;
	s8 =	sshrl.u32 s7, $0x1;
	s6 =	simm.s32 @!p0 $0x0  }
.Ltmp0:
0x9: {  	s7 =	ssub.s32 s7, s8;
	s6 =	sadd.s32 s6, s3;
	(pc) =	sbr.rel .LBB1_1-.Ltmp0, $4  }
0xa: {  	s11 =	smov.u32 s2;
	s4 =	rddreg [dreg:$0x1];
	s7 =	smul.u32 s6, s7  }
0xb: {  	s3 =	rddreg [dreg:$0x2];
	_ =	strace $0x8000004A;
	s6 =	simm.s32 $0x1  }
0xc: {  	s12 =	smov.u32 s1;
	[sflag:s6] =	ssyncpa.u1 $0x0;
	s7 =	sshll.u32 s7, $0x4  }
0xd: {  	p0 =	por $0x0, $0x0;
	[sflag:s31] =	ssyncpa.u1 $0x0;
	s8 =	sor.u32 $0x1, s7  }
.LBB1_4:
0xe: {  	v5 =	vld [tilespmem:s19+$0xFFFFFFD0];
	[tilespmem:s20+$0x2040 ss:$0x81] =	vst.msk $0xffff, v1  }
0xf: {  	v58 =	vld [tilespmem:s19+$0xFFFFFFE0];
	[tilespmem:s20+$0x2850 ss:$0x81] =	vst.msk $0xffff, v2  }
0x10: {  	s21 =	sshra.s32 s21, $0x2;
	v59 =	vld [tilespmem:s19+$0xFFFFFFF0];
	[tilespmem:s20+$0x3060 ss:$0x81] =	vst.msk $0xffff, v3  }
0x11: {  	v60 =	vld [tilespmem:s19+$0x0];
	[tilespmem:s20+$0x0 ss:$0x81] =	vst.msk $0xffff, v0;
	s18 =	sadd.s32 s21, s18  }
0x12: {  	v61 =	vld [tilespmem:s19+$0x10];
	s26 =	sshll.u32 s16, $0xB;
	[tilespmem:s18+$0x3870 ss:$0x81] =	vst.msk $0xffff, v4  }
0x13: {  	v62 =	vld [tilespmem:s19+$0x20];
	s27 =	sand.u32 $0x78, s15;
	s22 =	sshll.u32 s15, $0x3;
	s29 =	sshll.u32 s16, $0x7;
	[tilespmem:s18+$0x810 ss:$0x81] =	vst.msk $0xffff, v5  }
0x14: {  	v63 =	vld [tilespmem:s19+$0xFFFFFFC0];
	s14 =	sshll.u32 s14, $0xE;
	s20 =	sand.u32 $0x1C000, s26;
	s28 =	sand.u32 $0x1FC00, s22;
	[tilespmem:s18+$0x1020 ss:$0x81] =	vst.msk $0xffff, v58  }
0x15: {  	s31 =	sand.u32 $0x7, s15;
	s22 =	sand.u32 $0x400, s22;
	s19 =	sadd.s32 s28, s20;
	[tilespmem:s18+$0x1830 ss:$0x81] =	vst.msk $0xffff, v59  }
0x16: {  	s16 =	sand.u32 $0x380, s29;
	s30 =	sor.u32 s27, s22;
	s19 =	sshrl.u32 s19, $0x3;
	[tilespmem:s18+$0x2040 ss:$0x81] =	vst.msk $0xffff, v60  }
0x17: {  	s14 =	sadd.s32 s4, s14;
	s16 =	sor.u32 s16, s30;
	s19 =	sand.u32 $0x3F00, s19;
	[tilespmem:s18+$0x2850 ss:$0x81] =	vst.msk $0xffff, v61  }
0x18: {  	s15 =	sshll.u32 s31, $0x12;
	s16 =	sshrl.u32 s16, $0x3;
	[tilespmem:s18+$0x3060 ss:$0x81] =	vst.msk $0xffff, v62;
	s14 =	sadd.s32 s19, s14  }
0x19: {  	s15 =	sor.u32 $0x80, s15;
	[tilespmem:s18+$0x0 ss:$0x81] =	vst.msk $0xffff, v63;
	s14 =	sadd.s32 s16, s14  }
0x1a: {  	[hbm4b:s14+s15] =	stream.strided.scatter [tilespmem:s17], [sflag:$0x2], $0x4000, s9, s15, $0x20;
	[tilespmem:$0x10100] =	vst v63  }
.LBB1_5:
0x1b: {  	s17 =	sadd.s32 $0x80, s10  }
0x1c: {  	s14 =	sadd.s32 $0x2, s11;
	s18 =	smov.u32 s11;
	p2 =	sgt.s32 s17, $0x7FF  }
0x1d: {  	s18 =	smov.u32 @p2 s14  }
0x1e: {  	s20 =	smov.u32 s12;
	s14 =	sadd.s32 $0x800, s12;
	p3 =	sgt.s32 s18, $0x3F  }
0x1f: {  	s20 =	smov.u32 @p3 s14  }
0x20: {  	s17 =	simm.s32 @p2 $0x0;
	p2 =	sgt.s32 s20, $0x7FF  }
0x21: {  	p1 =	slt.u32 s13, $0x2;
	s20 =	smov.u32 @p2 s1;
	p2 =	sne.s32 s13, s8  }
.Ltmp1:
0x22: {  	s19 =	simm.s32 @!p1 $0x2;
	(pc) =	sbr.rel @!p2 .LBB1_6-.Ltmp1, $4  }
0x23: {  	s16 =	smov.u32 s11;
	s15 =	smov.u32 s12;
	_ =	swait.ge @!p1 [sflag:s19], $0x4000  }
0x24: {  	p0 =	por !p0, !p0;
	[sflag:s19] =	ssyncset.done @!p1 $0x0;
	s18 =	smov.u32 @p3 s2  }
0x25: {  	s14 =	smov.u32 s10;
	[sflag:s19] =	ssyncadd.s32 @!p1 $0xFFFFC000;
	s10 =	smov.u32 s17  }
0x26: {  	s11 =	smov.u32 s18;
	s13 =	sadd.s32 $0x1, s13;
	s12 =	smov.u32 s20  }
.LBB1_1:
0x27: {  	p1 =	sge.u32 s13, s7;
	s31 =	sadd.s32 $0xFFFFFFFF, s13  }
0x28: {  	s17 =	sxor.u32 @!p1 $0xFFFFFFFF, s13;
	s18 =	sand.u32 @!p1 $0x78, s10;
	s19 =	sshll.u32 @!p1 s11, $0xB  }
0x29: {  	s20 =	sshll.u32 @!p1 s11, $0x7;
	s21 =	sshll.u32 @!p1 s10, $0x3;
	s17 =	sshll.u32 @!p1 s17, $0xE  }
0x2a: {  	s19 =	sand.u32 @!p1 $0x1C000, s19;
	s20 =	sand.u32 @!p1 $0x380, s20;
	s17 =	sand.u32 @!p1 $0x4000, s17  }
0x2b: {  	s19 =	sadd.s32 @!p1 s19, s21;
	s21 =	sand.u32 @!p1 $0x400, s21;
	s18 =	sor.u32 @!p1 s20, s18  }
0x2c: {  	s20 =	sshll.u32 @!p1 s12, $0xE;
	s18 =	sor.u32 @!p1 s21, s18;
	s19 =	sshrl.u32 @!p1 s19, $0x3  }
0x2d: {  	s20 =	sadd.s32 @!p1 s5, s20;
	s21 =	sand.u32 @!p1 $0x7, s10;
	s19 =	sand.u32 @!p1 $0x3F00, s19  }
0x2e: {  	s18 =	sshrl.u32 @!p1 s18, $0x3;
	s19 =	sadd.s32 @!p1 s19, s20;
	s20 =	sshll.u32 @!p1 s21, $0x12  }
0x2f: {  	s18 =	sadd.s32 @!p1 s18, s19;
	s19 =	sor.u32 @!p1 $0x80, s20;
	s20 =	simm.s32 @!p1 $0x20000  }
0x30: {  	[tilespmem:s17], [sflag:$0x1] =	stream.strided.gather @!p1 [hbm4b:s18+s19], $0x4000, s20, s19, $0x38;
	[tilespmem:$0x10100] =	vst v63  }
0x31: {  	p1 =	sge.u32 s31, s7  }
.Ltmp2:
0x32: {  	_ = 	snop;
	(pc) =	sbr.rel @p1 .LBB1_5-.Ltmp2, $1  }
0x33: {  	_ =	sdelay $0x3  }
0x34: {  	s17 =	simm.s32 $0x1  }
0x35: {  	_ =	swait.ge [sflag:s6], $0x4000;
	s17 =	simm.s32 @!p0 $0x0  }
0x36: {  	[sflag:s6] =	ssyncset.done $0x0;
	s18 =	sshll.u32 s17, $0xE  }
0x37: {  	[sflag:s6] =	ssyncadd.s32 $0xFFFFC000;
	s19 =	sor.u32 $0x40, s18  }
0x38: {  	s17 =	smul.u32 $0x10200, s17;
	v0 =	vld [tilespmem:s19+$0x30]  }
0x39: {  	v3 =	vld [tilespmem:s19+$0xFFFFFFD0]  }
0x3a: {  	s17 =	sshrl.u32 s17, $0x2;
	v4 =	vld [tilespmem:s19+$0xFFFFFFE0]  }
0x3b: {  	v5 =	vld [tilespmem:s19+$0xFFFFFFF0];
	s18 =	sor.u32 $0x8000, s17  }
0x3c: {  	s31 =	sand.u32 $0x1, s13;
	v1 =	vld [tilespmem:s19+$0x0];
	s20 =	sadd.s32 $0x0, s18  }
0x3d: {  	v2 =	vld [tilespmem:s19+$0x10];
	s17 =	smul.u32 $0x10200, s31;
	[tilespmem:s20+$0x3870 ss:$0x81] =	vst.msk $0xffff, v0  }
0x3e: {  	[tilespmem:s20+$0x810 ss:$0x81] =	vst.msk $0xffff, v3;
	v3 =	vld [tilespmem:s19+$0x20]  }
0x3f: {  	s17 =	sshrl.u32 s17, $0x2;
	v0 =	vld [tilespmem:s19+$0xFFFFFFC0];
	[tilespmem:s20+$0x1020 ss:$0x81] =	vst.msk $0xffff, v4;
	s19 =	sadd.s32 $0x80, s19  }
0x40: {  	s21 =	simm.s32 $0x4;
	s22 =	simm.s32 $0x8;
	s17 =	sor.u32 $0x8000, s17;
	[tilespmem:s20+$0x1830 ss:$0x81] =	vst.msk $0xffff, v5;
	v4 =	vld [tilespmem:s19+$0x30]  }
.LBB1_3:
0x41: {  	p1 =	sne.s32 s22, $0x1FC;
	v5 =	vld [tilespmem:s19+$0xFFFFFFD0];
	[tilespmem:s20+$0x2040 ss:$0x81] =	vst.msk $0xffff, v1  }
0x42: {  	v6 =	vld [tilespmem:s19+$0xFFFFFFE0];
	[tilespmem:s20+$0x2850 ss:$0x81] =	vst.msk $0xffff, v2  }
0x43: {  	s23 =	sshra.s32 s21, $0x2;
	s21 =	smov.u32 s22;
	v7 =	vld [tilespmem:s19+$0xFFFFFFF0];
	[tilespmem:s20+$0x3060 ss:$0x81] =	vst.msk $0xffff, v3  }
.Ltmp3:
0x44: {  	v1 =	vld [tilespmem:s19+$0x0];
	[tilespmem:s20+$0x0 ss:$0x81] =	vst.msk $0xffff, v0;
	s20 =	sadd.s32 s23, s18;
	(pc) =	sbr.rel @p1 .LBB1_3-.Ltmp3, $4  }
0x45: {  	v2 =	vld [tilespmem:s19+$0x10];
	[tilespmem:s20+$0x3870 ss:$0x81] =	vst.msk $0xffff, v4  }
0x46: {  	[tilespmem:s20+$0x810 ss:$0x81] =	vst.msk $0xffff, v5;
	v3 =	vld [tilespmem:s19+$0x20]  }
0x47: {  	v0 =	vld [tilespmem:s19+$0xFFFFFFC0];
	[tilespmem:s20+$0x1020 ss:$0x81] =	vst.msk $0xffff, v6;
	s19 =	sadd.s32 $0x80, s19  }
0x48: {  	s22 =	sadd.s32 $0x4, s22;
	v4 =	vld [tilespmem:s19+$0x30];
	[tilespmem:s20+$0x1830 ss:$0x81] =	vst.msk $0xffff, v7  }
.Ltmp4:
0x49: {  	_ = 	snop;
	(pc) =	sbr.rel .LBB1_4-.Ltmp4, $1  }
0x4a: {  	_ =	sdelay $0x3  }
.LBB1_6:
0x4b: {  	_ =	sfence.sel $0x180000  }
0x4c: {  	s1 =	simm.s32 $0x1;
	[bflag:$0x0] =	sbarrier.arrive $0xFFFF  }
0x4d: {  	s31 =	simm.s32 $0x2;
	[sflag:s1] =	ssyncpa.u1 $0x1  }
0x4e: {  	[sflag:s31] =	ssyncpa.u1 $0x1  }
0x4f: {  	p0 =	sne.s32 s0, $0x0;
	_ =	strace $0x9000004A  }
0x50: {  	s0 =	sadd.s32 @!p0 $0x100000, s3;
	[bflag:$0x2] =	sbarrier.arrive $0xFFFF  }
0x51: {  	[sflag:s0] =	ssyncadd.tile.s32 @!p0 $0x1;
	_ =	shalt  }
.Lfunc_end1:
_tile_overlayer_lowered:
.L_overlay_start_2:
0x52: {  	(tag) =	ssettag $0x2  }
0x53: {  	s0 =	rddreg [dreg:$0x0];
	s2 =	stileid.u32  }
0x54: {  	s1 =	rddreg [dreg:$0x1];
	p0 =	sne.s32 s2, $0x0  }
0x55: {  	s3 =	rddreg [dreg:$0x2];
	[bflag:$0x3] =	sbarrier.arrive $0xFFFF;
	s2 =	simm.s32 @!p0 $0x1C01  }
0x56: {  	[timem:s3], [sflag:s2] =	dma.local @!p0 [hbm:s0], s1  }
0x57: {  	s0 =	simm.s32 @!p0 $0x1  }
0x58: {  	_ =	swait.ge @!p0 [sflag:s0], s1  }
0x59: {  	s1 =	ssub.s32 @!p0 $0x0, s1;
	[sflag:s0] =	ssyncset.done @!p0 $0x0  }
0x5a: {  	[sflag:s0] =	ssyncadd.s32 @!p0 s1  }
0x5b: {  	[bflag:$0x3] =	sbarrier.arrive $0xFFFF  }
0x5c: {  	_ =	shalt  }

</sc_bundles>
